<compile_context>
chip_gen: v7x
topology: tpu7x:2x2x1
jax: 0.10.2.dev20260603
libtpu: 0.0.44.dev20260713+nightly
codegen_flags: <defaults>
</compile_context>

<pallas_src>
import functools

import jax
import jax.numpy as jnp
from jax import lax
from jax.experimental import pallas as pl
from jax.experimental.pallas import tpu as pltpu
from jax.experimental.pallas import tpu_sc as plsc

B = 1024
D_IN = 512
LATENT = 64
SOM_R = 32
SOM_C = 32
NCODE = SOM_R * SOM_C
BLK = 256
GRID = B // BLK
NSLOT = 5

_TROWS = NCODE + 8
_TW = 128
_BIG = (1 << 30)


def _tc1_body(x_ref, wet_ref, be_ref, e_ref,
              ze_ref, zet_ref, zd_ref, k_ref, g_ref, tab_ref):
    x = x_ref[...]
    E = e_ref[...].reshape(NCODE, LATENT)
    Et = E.T
    We = wet_ref[...].T
    ze = jnp.dot(x, We, preferred_element_type=jnp.float32) + be_ref[...]
    ze_ref[...] = ze
    zet_ref[...] = ze.T

    enorm = jnp.sum(Et * Et, axis=0, keepdims=True)
    cross = jnp.dot(ze, Et, preferred_element_type=jnp.float32,
                    precision=lax.Precision.HIGHEST)
    c = enorm - 2.0 * cross
    znorm = jnp.sum(ze * ze, axis=1, keepdims=True)
    zd_ref[...] = znorm + c

    cmin = jnp.min(c, axis=1, keepdims=True)
    iota = lax.broadcasted_iota(jnp.int32, (BLK, NCODE), 1)
    k = jnp.min(jnp.where(c <= cmin, iota, _BIG), axis=1, keepdims=True)
    k_ref[...] = k

    k1 = k // SOM_C
    k2 = k % SOM_C
    row_iota = lax.broadcasted_iota(jnp.int32, (BLK, 1), 0)
    zpad = NCODE + (row_iota & 7)
    up = jnp.where(k1 < (SOM_R - 1), k + SOM_C, zpad)
    down = jnp.where(k1 > 0, k - SOM_C, zpad)
    left = jnp.where(k2 > 0, k - 1, zpad)
    g_ref[...] = jnp.concatenate([k, up, down, zpad, left], axis=1)

    @pl.when(pl.program_id(0) == 0)
    def _():
        tab_ref[...] = jnp.zeros((_TROWS, _TW), jnp.float32)
        tab_ref[pl.ds(0, NCODE), pl.ds(0, LATENT)] = E


def _tc1_call(x, W_enc_t, b_enc2, emb):
    full = lambda s: pl.BlockSpec(s, lambda i: (0,) * len(s))
    return pl.pallas_call(
        _tc1_body,
        grid=(GRID,),
        in_specs=[
            pl.BlockSpec((BLK, D_IN), lambda i: (i, 0)),
            full((LATENT, D_IN)),
            full((1, LATENT)),
            full((SOM_R, SOM_C, LATENT)),
        ],
        out_specs=[
            pl.BlockSpec((BLK, LATENT), lambda i: (i, 0)),
            pl.BlockSpec((LATENT, BLK), lambda i: (0, i)),
            pl.BlockSpec((BLK, NCODE), lambda i: (i, 0)),
            pl.BlockSpec((BLK, 1), lambda i: (i, 0)),
            pl.BlockSpec((BLK, NSLOT), lambda i: (i, 0)),
            full((_TROWS, _TW)),
        ],
        out_shape=[
            jax.ShapeDtypeStruct((B, LATENT), jnp.float32),
            jax.ShapeDtypeStruct((LATENT, B), jnp.float32),
            jax.ShapeDtypeStruct((B, NCODE), jnp.float32),
            jax.ShapeDtypeStruct((B, 1), jnp.int32),
            jax.ShapeDtypeStruct((B, NSLOT), jnp.int32),
            jax.ShapeDtypeStruct((_TROWS, _TW), jnp.float32),
        ],
        compiler_params=pltpu.CompilerParams(
            dimension_semantics=("arbitrary",),
        ),
    )(x, W_enc_t, b_enc2, emb)


def _tc2_body(ze_ref, k_ref, e_ref, wq_ref, bq_ref, wde_ref, bde_ref,
              zq_ref, xq_ref, xe_ref):
    ze = ze_ref[...]
    k = k_ref[...]
    iota = lax.broadcasted_iota(jnp.int32, (BLK, NCODE), 1)
    onehot = (iota == k).astype(jnp.float32)
    zq = jnp.dot(onehot, e_ref[...].reshape(NCODE, LATENT),
                 preferred_element_type=jnp.float32,
                 precision=lax.Precision.HIGHEST)
    zq_ref[...] = zq.T
    xq_ref[...] = jnp.dot(zq, wq_ref[...], preferred_element_type=jnp.float32) + bq_ref[...]
    xe_ref[...] = jnp.dot(ze, wde_ref[...], preferred_element_type=jnp.float32) + bde_ref[...]


def _tc2_call(z_e, k2d, emb, W_dec_q, b_dec_q2, W_dec_e, b_dec_e2):
    full = lambda s: pl.BlockSpec(s, lambda i: (0,) * len(s))
    return pl.pallas_call(
        _tc2_body,
        grid=(GRID,),
        in_specs=[
            pl.BlockSpec((BLK, LATENT), lambda i: (i, 0)),
            pl.BlockSpec((BLK, 1), lambda i: (i, 0)),
            full((SOM_R, SOM_C, LATENT)),
            full((LATENT, D_IN)),
            full((1, D_IN)),
            full((LATENT, D_IN)),
            full((1, D_IN)),
        ],
        out_specs=[
            pl.BlockSpec((LATENT, BLK), lambda i: (0, i)),
            pl.BlockSpec((BLK, D_IN), lambda i: (i, 0)),
            pl.BlockSpec((BLK, D_IN), lambda i: (i, 0)),
        ],
        out_shape=[
            jax.ShapeDtypeStruct((LATENT, B), jnp.float32),
            jax.ShapeDtypeStruct((B, D_IN), jnp.float32),
            jax.ShapeDtypeStruct((B, D_IN), jnp.float32),
        ],
        compiler_params=pltpu.CompilerParams(
            dimension_semantics=("arbitrary",),
        ),
    )(z_e, k2d, emb, W_dec_q, b_dec_q2, W_dec_e, b_dec_e2)


_NC = 2
_NS = 16
_NW = _NC * _NS
_NG = NSLOT * B
_BPW = _NG // _NW
_NCH = 4
_CH = _BPW // _NCH


@functools.lru_cache(maxsize=None)
def _sc_gather_fn():
    mesh = plsc.VectorSubcoreMesh(core_axis_name="c", subcore_axis_name="s")

    @functools.partial(
        pl.kernel,
        mesh=mesh,
        out_type=jax.ShapeDtypeStruct((_NG, _TW), jnp.float32),
        scratch_types=(
            [pltpu.VMEM((_CH,), jnp.int32)] * _NCH
            + [pltpu.VMEM((_CH, _TW), jnp.float32)] * _NCH
            + [pltpu.SemaphoreType.DMA] * 3
        ),
    )
    def _sc_gather(table_hbm, idx_hbm, out_hbm, *refs):
        idx_v = refs[:_NCH]
        rows_v = refs[_NCH:2 * _NCH]
        isem, gsem, wsem = refs[2 * _NCH:]
        wid = lax.axis_index("s") * _NC + lax.axis_index("c")
        base = wid * _BPW
        ic = [pltpu.async_copy(idx_hbm.at[pl.ds(base + j * _CH, _CH)],
                               idx_v[j], isem) for j in range(_NCH)]
        for c in ic:
            c.wait()
        gc = [pltpu.async_copy(table_hbm.at[idx_v[j]], rows_v[j], gsem)
              for j in range(_NCH)]
        for c in gc:
            c.wait()
        wc = [pltpu.async_copy(rows_v[j],
                               out_hbm.at[pl.ds(base + j * _CH, _CH)], wsem)
              for j in range(_NCH)]
        for c in wc:
            c.wait()

    return _sc_gather


def kernel(x, W_enc, b_enc, W_dec_q, b_dec_q, W_dec_e, b_dec_e, embeddings):
    ze_i, ze_t, zdist, k2d, gidx, table = _tc1_call(
        x, W_enc.T, b_enc.reshape(1, LATENT), embeddings)
    k = k2d.reshape(B)
    z_e = ze_t.T

    nb = _sc_gather_fn()(table, gidx.reshape(_NG))
    zq_t, x_q, x_e = _tc2_call(
        ze_i, k2d, embeddings,
        W_dec_q, b_dec_q.reshape(1, D_IN),
        W_dec_e, b_dec_e.reshape(1, D_IN))
    z_q = zq_t.T

    z_q_neighbors = nb[:, :LATENT].reshape(B, NSLOT, LATENT)
    return (x_e, x_q, z_e, z_q, z_q_neighbors, k, zdist)

# --- scband reference (transcript-rebuilt; emitter-appended) ---
"""Pipeline reference for scband-somvae-18382460027423 (READ-ONLY COPY).

The authoritative reference and input builder live on the scoring server;
editing this copy changes nothing except your own understanding.
"""

import jax, jax.numpy as jnp
import numpy as np

B = 1024
D_IN = 512
LATENT = 64
SOM = (32, 32)


def setup_inputs(seed: int = 0) -> dict:
    key = jax.random.key(seed)
    ks = jax.random.split(key, 8)
    x = jax.random.normal(ks[0], (B, D_IN), dtype=jnp.float32)
    W_enc = jax.random.normal(ks[1], (D_IN, LATENT), dtype=jnp.float32) * (1.0 / np.sqrt(D_IN))
    b_enc = jnp.zeros((LATENT,), dtype=jnp.float32)
    W_dec_q = jax.random.normal(ks[2], (LATENT, D_IN), dtype=jnp.float32) * (1.0 / np.sqrt(LATENT))
    b_dec_q = jnp.zeros((D_IN,), dtype=jnp.float32)
    W_dec_e = jax.random.normal(ks[3], (LATENT, D_IN), dtype=jnp.float32) * (1.0 / np.sqrt(LATENT))
    b_dec_e = jnp.zeros((D_IN,), dtype=jnp.float32)
    embeddings = jax.random.normal(ks[4], (SOM[0], SOM[1], LATENT), dtype=jnp.float32) * 0.05
    return {
        "x": x,
        "W_enc": W_enc,
        "b_enc": b_enc,
        "W_dec_q": W_dec_q,
        "b_dec_q": b_dec_q,
        "W_dec_e": W_dec_e,
        "b_dec_e": b_dec_e,
        "embeddings": embeddings,
    }


def reference(x, W_enc, b_enc, W_dec_q, b_dec_q, W_dec_e, b_dec_e, embeddings):
    # encoder: linear
    z_e = x @ W_enc + b_enc
    # pairwise squared distance to SOM codebook
    z_dist = (z_e[:, None, None, :] - embeddings[None, :, :, :]) ** 2
    z_dist_sum = jnp.sum(z_dist, axis=-1)
    z_dist_flat = z_dist_sum.reshape(x.shape[0], -1)
    k = jnp.argmin(z_dist_flat, axis=-1)
    k_1 = k // SOM[1]
    k_2 = k % SOM[1]
    z_q = embeddings[k_1, k_2]
    k1_not_top = k_1 < (SOM[0] - 1)
    k1_not_bottom = k_1 > 0
    k2_not_right = k_2 < (SOM[1] - 1)
    k2_not_left = k_2 > 0
    k1_up = jnp.where(k1_not_top, k_1 + 1, k_1)
    k1_down = jnp.where(k1_not_bottom, k_1 - 1, k_1)
    k2_right = jnp.where(k2_not_right, k_2 + 1, k_2)
    k2_left = jnp.where(k2_not_left, k_2 - 1, k_2)
    z_q_up = jnp.where(k1_not_top[:, None], embeddings[k1_up, k_2], 0.0)
    z_q_down = jnp.where(k1_not_bottom[:, None], embeddings[k1_down, k_2], 0.0)
    # NOTE: the original torch code has `z_q_right[...] == ...` (comparison, not
    # assignment), so z_q_right remains all zeros. Replicated faithfully.
    z_q_right = jnp.zeros_like(z_q)
    _ = embeddings[k_1, k2_right]  # gather happens in torch too, result discarded
    z_q_left = jnp.where(k2_not_left[:, None], embeddings[k_1, k2_left], 0.0)
    z_q_neighbors = jnp.stack([z_q, z_q_up, z_q_down, z_q_right, z_q_left], axis=1)
    x_q = z_q @ W_dec_q + b_dec_q
    x_e = z_e @ W_dec_e + b_dec_e
    return (x_e, x_q, z_e, z_q, z_q_neighbors, k, z_dist_flat)

if __name__ == "__main__":
    import jax
    _d = setup_inputs()
    print(jax.jit(kernel)(*tuple(_d.values())))

</pallas_src>

<mosaic_0001>
#map = affine_map<(d0, d1) -> (0, 0)>
#map1 = affine_map<(d0, d1) -> (0)>
module attributes {stable_mosaic.version = 14 : i64} {
  func.func @_sc_gather(%arg0: i32, %arg1: i32, %arg2: memref<1032x128xf32, #tpu.memory_space<hbm>>, %arg3: memref<5120xi32, #tpu.memory_space<hbm>>, %arg4: memref<5120x128xf32, #tpu.memory_space<hbm>>, %arg5: memref<40xi32, #tpu.memory_space<vmem>>, %arg6: memref<40xi32, #tpu.memory_space<vmem>>, %arg7: memref<40xi32, #tpu.memory_space<vmem>>, %arg8: memref<40xi32, #tpu.memory_space<vmem>>, %arg9: memref<40x128xf32, #tpu.memory_space<vmem>>, %arg10: memref<40x128xf32, #tpu.memory_space<vmem>>, %arg11: memref<40x128xf32, #tpu.memory_space<vmem>>, %arg12: memref<40x128xf32, #tpu.memory_space<vmem>>, %arg13: memref<!tpu.dma_semaphore, #tpu.memory_space<semaphore_mem>>, %arg14: memref<!tpu.dma_semaphore, #tpu.memory_space<semaphore_mem>>, %arg15: memref<!tpu.dma_semaphore, #tpu.memory_space<semaphore_mem>>) attributes {dimension_semantics = [#tpu.dimension_semantics<core_parallel>, #tpu.dimension_semantics<subcore_parallel>], iteration_bounds = array<i64: 2, 16>, scalar_prefetch = 0 : i64, scratch_operands = 11 : i64, tpu.core_type = #tpu.core_type<sc_vector_subcore>, window_params = [{transform_indices = #map}, {transform_indices = #map1}, {transform_indices = #map}]} {
    %mul3A = arith.constant 2 : i32
    %mul3A_0 = arith.muli %arg1, %mul3A : i32
    %add3A = arith.addi %mul3A_0, %arg0 : i32
    %mul3A_1 = arith.constant 160 : i32
    %mul3A_2 = arith.muli %add3A, %mul3A_1 : i32
    %add3A_3 = arith.constant 0 : i32
    %add3A_4 = arith.addi %mul3A_2, %add3A_3 : i32
    %dma_start3A = tpu.memref_slice %arg3[%add3A_4] : memref<5120xi32, #tpu.memory_space<hbm>> -> memref<40xi32, #tpu.memory_space<hbm>>
    %dma_start3A_5 = tpu.memref_slice %arg3[%add3A_4] : memref<5120xi32, #tpu.memory_space<hbm>> -> memref<40xi32, #tpu.memory_space<hbm>>
    tpu.enqueue_dma source(%dma_start3A_5 : memref<40xi32, #tpu.memory_space<hbm>>) target(%arg5 : memref<40xi32, #tpu.memory_space<vmem>>) target_semaphore(%arg13 : memref<!tpu.dma_semaphore, #tpu.memory_space<semaphore_mem>>)
    %add3A_6 = arith.constant 40 : i32
    %add3A_7 = arith.addi %mul3A_2, %add3A_6 : i32
    %dma_start3A_8 = tpu.memref_slice %arg3[%add3A_7] : memref<5120xi32, #tpu.memory_space<hbm>> -> memref<40xi32, #tpu.memory_space<hbm>>
    %dma_start3A_9 = tpu.memref_slice %arg3[%add3A_7] : memref<5120xi32, #tpu.memory_space<hbm>> -> memref<40xi32, #tpu.memory_space<hbm>>
    tpu.enqueue_dma source(%dma_start3A_9 : memref<40xi32, #tpu.memory_space<hbm>>) target(%arg6 : memref<40xi32, #tpu.memory_space<vmem>>) target_semaphore(%arg13 : memref<!tpu.dma_semaphore, #tpu.memory_space<semaphore_mem>>)
    %add3A_10 = arith.constant 80 : i32
    %add3A_11 = arith.addi %mul3A_2, %add3A_10 : i32
    %dma_start3A_12 = tpu.memref_slice %arg3[%add3A_11] : memref<5120xi32, #tpu.memory_space<hbm>> -> memref<40xi32, #tpu.memory_space<hbm>>
    %dma_start3A_13 = tpu.memref_slice %arg3[%add3A_11] : memref<5120xi32, #tpu.memory_space<hbm>> -> memref<40xi32, #tpu.memory_space<hbm>>
    tpu.enqueue_dma source(%dma_start3A_13 : memref<40xi32, #tpu.memory_space<hbm>>) target(%arg7 : memref<40xi32, #tpu.memory_space<vmem>>) target_semaphore(%arg13 : memref<!tpu.dma_semaphore, #tpu.memory_space<semaphore_mem>>)
    %add3A_14 = arith.constant 120 : i32
    %add3A_15 = arith.addi %mul3A_2, %add3A_14 : i32
    %dma_start3A_16 = tpu.memref_slice %arg3[%add3A_15] : memref<5120xi32, #tpu.memory_space<hbm>> -> memref<40xi32, #tpu.memory_space<hbm>>
    %dma_start3A_17 = tpu.memref_slice %arg3[%add3A_15] : memref<5120xi32, #tpu.memory_space<hbm>> -> memref<40xi32, #tpu.memory_space<hbm>>
    tpu.enqueue_dma source(%dma_start3A_17 : memref<40xi32, #tpu.memory_space<hbm>>) target(%arg8 : memref<40xi32, #tpu.memory_space<vmem>>) target_semaphore(%arg13 : memref<!tpu.dma_semaphore, #tpu.memory_space<semaphore_mem>>)
    %dma_wait3A = tpu.memref_slice %arg3[%add3A_4] : memref<5120xi32, #tpu.memory_space<hbm>> -> memref<40xi32, #tpu.memory_space<hbm>>
    %dma_wait3A_18 = tpu.memref_slice %arg3[%add3A_4] : memref<5120xi32, #tpu.memory_space<hbm>> -> memref<40xi32, #tpu.memory_space<hbm>>
    tpu.wait_dma2 semaphore(%arg13 : memref<!tpu.dma_semaphore, #tpu.memory_space<semaphore_mem>>) src(%dma_wait3A_18 : memref<40xi32, #tpu.memory_space<hbm>>) dst(%arg5 : memref<40xi32, #tpu.memory_space<vmem>>)
    %dma_wait3A_19 = tpu.memref_slice %arg3[%add3A_7] : memref<5120xi32, #tpu.memory_space<hbm>> -> memref<40xi32, #tpu.memory_space<hbm>>
    %dma_wait3A_20 = tpu.memref_slice %arg3[%add3A_7] : memref<5120xi32, #tpu.memory_space<hbm>> -> memref<40xi32, #tpu.memory_space<hbm>>
    tpu.wait_dma2 semaphore(%arg13 : memref<!tpu.dma_semaphore, #tpu.memory_space<semaphore_mem>>) src(%dma_wait3A_20 : memref<40xi32, #tpu.memory_space<hbm>>) dst(%arg6 : memref<40xi32, #tpu.memory_space<vmem>>)
    %dma_wait3A_21 = tpu.memref_slice %arg3[%add3A_11] : memref<5120xi32, #tpu.memory_space<hbm>> -> memref<40xi32, #tpu.memory_space<hbm>>
    %dma_wait3A_22 = tpu.memref_slice %arg3[%add3A_11] : memref<5120xi32, #tpu.memory_space<hbm>> -> memref<40xi32, #tpu.memory_space<hbm>>
    tpu.wait_dma2 semaphore(%arg13 : memref<!tpu.dma_semaphore, #tpu.memory_space<semaphore_mem>>) src(%dma_wait3A_22 : memref<40xi32, #tpu.memory_space<hbm>>) dst(%arg7 : memref<40xi32, #tpu.memory_space<vmem>>)
    %dma_wait3A_23 = tpu.memref_slice %arg3[%add3A_15] : memref<5120xi32, #tpu.memory_space<hbm>> -> memref<40xi32, #tpu.memory_space<hbm>>
    %dma_wait3A_24 = tpu.memref_slice %arg3[%add3A_15] : memref<5120xi32, #tpu.memory_space<hbm>> -> memref<40xi32, #tpu.memory_space<hbm>>
    tpu.wait_dma2 semaphore(%arg13 : memref<!tpu.dma_semaphore, #tpu.memory_space<semaphore_mem>>) src(%dma_wait3A_24 : memref<40xi32, #tpu.memory_space<hbm>>) dst(%arg8 : memref<40xi32, #tpu.memory_space<vmem>>)
    %dma_start3A_25 = arith.constant 0 : i32
    %dma_start3A_26 = arith.constant 0 : i32
    %dma_start3A_27 = tpu.memref_slice %arg2[%dma_start3A_25, %dma_start3A_26] : memref<1032x128xf32, #tpu.memory_space<hbm>> -> memref<1032x128xf32, #tpu.memory_space<hbm>>
    tpu.enqueue_indirect_dma source(%dma_start3A_27 : memref<1032x128xf32, #tpu.memory_space<hbm>>) target(%arg9 : memref<40x128xf32, #tpu.memory_space<vmem>>) offsets(%arg5 : memref<40xi32, #tpu.memory_space<vmem>>) semaphore(%arg14 : memref<!tpu.dma_semaphore, #tpu.memory_space<semaphore_mem>>)
    %dma_start3A_28 = arith.constant 0 : i32
    %dma_start3A_29 = arith.constant 0 : i32
    %dma_start3A_30 = tpu.memref_slice %arg2[%dma_start3A_28, %dma_start3A_29] : memref<1032x128xf32, #tpu.memory_space<hbm>> -> memref<1032x128xf32, #tpu.memory_space<hbm>>
    tpu.enqueue_indirect_dma source(%dma_start3A_30 : memref<1032x128xf32, #tpu.memory_space<hbm>>) target(%arg10 : memref<40x128xf32, #tpu.memory_space<vmem>>) offsets(%arg6 : memref<40xi32, #tpu.memory_space<vmem>>) semaphore(%arg14 : memref<!tpu.dma_semaphore, #tpu.memory_space<semaphore_mem>>)
    %dma_start3A_31 = arith.constant 0 : i32
    %dma_start3A_32 = arith.constant 0 : i32
    %dma_start3A_33 = tpu.memref_slice %arg2[%dma_start3A_31, %dma_start3A_32] : memref<1032x128xf32, #tpu.memory_space<hbm>> -> memref<1032x128xf32, #tpu.memory_space<hbm>>
    tpu.enqueue_indirect_dma source(%dma_start3A_33 : memref<1032x128xf32, #tpu.memory_space<hbm>>) target(%arg11 : memref<40x128xf32, #tpu.memory_space<vmem>>) offsets(%arg7 : memref<40xi32, #tpu.memory_space<vmem>>) semaphore(%arg14 : memref<!tpu.dma_semaphore, #tpu.memory_space<semaphore_mem>>)
    %dma_start3A_34 = arith.constant 0 : i32
    %dma_start3A_35 = arith.constant 0 : i32
    %dma_start3A_36 = tpu.memref_slice %arg2[%dma_start3A_34, %dma_start3A_35] : memref<1032x128xf32, #tpu.memory_space<hbm>> -> memref<1032x128xf32, #tpu.memory_space<hbm>>
    tpu.enqueue_indirect_dma source(%dma_start3A_36 : memref<1032x128xf32, #tpu.memory_space<hbm>>) target(%arg12 : memref<40x128xf32, #tpu.memory_space<vmem>>) offsets(%arg8 : memref<40xi32, #tpu.memory_space<vmem>>) semaphore(%arg14 : memref<!tpu.dma_semaphore, #tpu.memory_space<semaphore_mem>>)
    %dma_wait3A_37 = arith.constant 0 : i32
    %dma_wait3A_38 = arith.constant 0 : i32
    %dma_wait3A_39 = tpu.memref_slice %arg2[%dma_wait3A_37, %dma_wait3A_38] : memref<1032x128xf32, #tpu.memory_space<hbm>> -> memref<1032x128xf32, #tpu.memory_space<hbm>>
    tpu.wait_indirect_dma semaphore(%arg14 : memref<!tpu.dma_semaphore, #tpu.memory_space<semaphore_mem>>) src(%dma_wait3A_39 : memref<1032x128xf32, #tpu.memory_space<hbm>>) dst(%arg9 : memref<40x128xf32, #tpu.memory_space<vmem>>)
    %dma_wait3A_40 = arith.constant 0 : i32
    %dma_wait3A_41 = arith.constant 0 : i32
    %dma_wait3A_42 = tpu.memref_slice %arg2[%dma_wait3A_40, %dma_wait3A_41] : memref<1032x128xf32, #tpu.memory_space<hbm>> -> memref<1032x128xf32, #tpu.memory_space<hbm>>
    tpu.wait_indirect_dma semaphore(%arg14 : memref<!tpu.dma_semaphore, #tpu.memory_space<semaphore_mem>>) src(%dma_wait3A_42 : memref<1032x128xf32, #tpu.memory_space<hbm>>) dst(%arg10 : memref<40x128xf32, #tpu.memory_space<vmem>>)
    %dma_wait3A_43 = arith.constant 0 : i32
    %dma_wait3A_44 = arith.constant 0 : i32
    %dma_wait3A_45 = tpu.memref_slice %arg2[%dma_wait3A_43, %dma_wait3A_44] : memref<1032x128xf32, #tpu.memory_space<hbm>> -> memref<1032x128xf32, #tpu.memory_space<hbm>>
    tpu.wait_indirect_dma semaphore(%arg14 : memref<!tpu.dma_semaphore, #tpu.memory_space<semaphore_mem>>) src(%dma_wait3A_45 : memref<1032x128xf32, #tpu.memory_space<hbm>>) dst(%arg11 : memref<40x128xf32, #tpu.memory_space<vmem>>)
    %dma_wait3A_46 = arith.constant 0 : i32
    %dma_wait3A_47 = arith.constant 0 : i32
    %dma_wait3A_48 = tpu.memref_slice %arg2[%dma_wait3A_46, %dma_wait3A_47] : memref<1032x128xf32, #tpu.memory_space<hbm>> -> memref<1032x128xf32, #tpu.memory_space<hbm>>
    tpu.wait_indirect_dma semaphore(%arg14 : memref<!tpu.dma_semaphore, #tpu.memory_space<semaphore_mem>>) src(%dma_wait3A_48 : memref<1032x128xf32, #tpu.memory_space<hbm>>) dst(%arg12 : memref<40x128xf32, #tpu.memory_space<vmem>>)
    %add3A_49 = arith.constant 0 : i32
    %add3A_50 = arith.addi %mul3A_2, %add3A_49 : i32
    %dma_start3A_51 = arith.constant 0 : i32
    %dma_start3A_52 = tpu.memref_slice %arg4[%add3A_50, %dma_start3A_51] : memref<5120x128xf32, #tpu.memory_space<hbm>> -> memref<40x128xf32, #tpu.memory_space<hbm>>
    %dma_start3A_53 = arith.constant 0 : i32
    %dma_start3A_54 = tpu.memref_slice %arg4[%add3A_50, %dma_start3A_53] : memref<5120x128xf32, #tpu.memory_space<hbm>> -> memref<40x128xf32, #tpu.memory_space<hbm>>
    tpu.enqueue_dma source(%arg9 : memref<40x128xf32, #tpu.memory_space<vmem>>) target(%dma_start3A_54 : memref<40x128xf32, #tpu.memory_space<hbm>>) target_semaphore(%arg15 : memref<!tpu.dma_semaphore, #tpu.memory_space<semaphore_mem>>)
    %add3A_55 = arith.constant 40 : i32
    %add3A_56 = arith.addi %mul3A_2, %add3A_55 : i32
    %dma_start3A_57 = arith.constant 0 : i32
    %dma_start3A_58 = tpu.memref_slice %arg4[%add3A_56, %dma_start3A_57] : memref<5120x128xf32, #tpu.memory_space<hbm>> -> memref<40x128xf32, #tpu.memory_space<hbm>>
    %dma_start3A_59 = arith.constant 0 : i32
    %dma_start3A_60 = tpu.memref_slice %arg4[%add3A_56, %dma_start3A_59] : memref<5120x128xf32, #tpu.memory_space<hbm>> -> memref<40x128xf32, #tpu.memory_space<hbm>>
    tpu.enqueue_dma source(%arg10 : memref<40x128xf32, #tpu.memory_space<vmem>>) target(%dma_start3A_60 : memref<40x128xf32, #tpu.memory_space<hbm>>) target_semaphore(%arg15 : memref<!tpu.dma_semaphore, #tpu.memory_space<semaphore_mem>>)
    %add3A_61 = arith.constant 80 : i32
    %add3A_62 = arith.addi %mul3A_2, %add3A_61 : i32
    %dma_start3A_63 = arith.constant 0 : i32
    %dma_start3A_64 = tpu.memref_slice %arg4[%add3A_62, %dma_start3A_63] : memref<5120x128xf32, #tpu.memory_space<hbm>> -> memref<40x128xf32, #tpu.memory_space<hbm>>
    %dma_start3A_65 = arith.constant 0 : i32
    %dma_start3A_66 = tpu.memref_slice %arg4[%add3A_62, %dma_start3A_65] : memref<5120x128xf32, #tpu.memory_space<hbm>> -> memref<40x128xf32, #tpu.memory_space<hbm>>
    tpu.enqueue_dma source(%arg11 : memref<40x128xf32, #tpu.memory_space<vmem>>) target(%dma_start3A_66 : memref<40x128xf32, #tpu.memory_space<hbm>>) target_semaphore(%arg15 : memref<!tpu.dma_semaphore, #tpu.memory_space<semaphore_mem>>)
    %add3A_67 = arith.constant 120 : i32
    %add3A_68 = arith.addi %mul3A_2, %add3A_67 : i32
    %dma_start3A_69 = arith.constant 0 : i32
    %dma_start3A_70 = tpu.memref_slice %arg4[%add3A_68, %dma_start3A_69] : memref<5120x128xf32, #tpu.memory_space<hbm>> -> memref<40x128xf32, #tpu.memory_space<hbm>>
    %dma_start3A_71 = arith.constant 0 : i32
    %dma_start3A_72 = tpu.memref_slice %arg4[%add3A_68, %dma_start3A_71] : memref<5120x128xf32, #tpu.memory_space<hbm>> -> memref<40x128xf32, #tpu.memory_space<hbm>>
    tpu.enqueue_dma source(%arg12 : memref<40x128xf32, #tpu.memory_space<vmem>>) target(%dma_start3A_72 : memref<40x128xf32, #tpu.memory_space<hbm>>) target_semaphore(%arg15 : memref<!tpu.dma_semaphore, #tpu.memory_space<semaphore_mem>>)
    %dma_wait3A_73 = arith.constant 0 : i32
    %dma_wait3A_74 = tpu.memref_slice %arg4[%add3A_50, %dma_wait3A_73] : memref<5120x128xf32, #tpu.memory_space<hbm>> -> memref<40x128xf32, #tpu.memory_space<hbm>>
    %dma_wait3A_75 = arith.constant 0 : i32
    %dma_wait3A_76 = tpu.memref_slice %arg4[%add3A_50, %dma_wait3A_75] : memref<5120x128xf32, #tpu.memory_space<hbm>> -> memref<40x128xf32, #tpu.memory_space<hbm>>
    tpu.wait_dma2 semaphore(%arg15 : memref<!tpu.dma_semaphore, #tpu.memory_space<semaphore_mem>>) src(%arg9 : memref<40x128xf32, #tpu.memory_space<vmem>>) dst(%dma_wait3A_76 : memref<40x128xf32, #tpu.memory_space<hbm>>)
    %dma_wait3A_77 = arith.constant 0 : i32
    %dma_wait3A_78 = tpu.memref_slice %arg4[%add3A_56, %dma_wait3A_77] : memref<5120x128xf32, #tpu.memory_space<hbm>> -> memref<40x128xf32, #tpu.memory_space<hbm>>
    %dma_wait3A_79 = arith.constant 0 : i32
    %dma_wait3A_80 = tpu.memref_slice %arg4[%add3A_56, %dma_wait3A_79] : memref<5120x128xf32, #tpu.memory_space<hbm>> -> memref<40x128xf32, #tpu.memory_space<hbm>>
    tpu.wait_dma2 semaphore(%arg15 : memref<!tpu.dma_semaphore, #tpu.memory_space<semaphore_mem>>) src(%arg10 : memref<40x128xf32, #tpu.memory_space<vmem>>) dst(%dma_wait3A_80 : memref<40x128xf32, #tpu.memory_space<hbm>>)
    %dma_wait3A_81 = arith.constant 0 : i32
    %dma_wait3A_82 = tpu.memref_slice %arg4[%add3A_62, %dma_wait3A_81] : memref<5120x128xf32, #tpu.memory_space<hbm>> -> memref<40x128xf32, #tpu.memory_space<hbm>>
    %dma_wait3A_83 = arith.constant 0 : i32
    %dma_wait3A_84 = tpu.memref_slice %arg4[%add3A_62, %dma_wait3A_83] : memref<5120x128xf32, #tpu.memory_space<hbm>> -> memref<40x128xf32, #tpu.memory_space<hbm>>
    tpu.wait_dma2 semaphore(%arg15 : memref<!tpu.dma_semaphore, #tpu.memory_space<semaphore_mem>>) src(%arg11 : memref<40x128xf32, #tpu.memory_space<vmem>>) dst(%dma_wait3A_84 : memref<40x128xf32, #tpu.memory_space<hbm>>)
    %dma_wait3A_85 = arith.constant 0 : i32
    %dma_wait3A_86 = tpu.memref_slice %arg4[%add3A_68, %dma_wait3A_85] : memref<5120x128xf32, #tpu.memory_space<hbm>> -> memref<40x128xf32, #tpu.memory_space<hbm>>
    %dma_wait3A_87 = arith.constant 0 : i32
    %dma_wait3A_88 = tpu.memref_slice %arg4[%add3A_68, %dma_wait3A_87] : memref<5120x128xf32, #tpu.memory_space<hbm>> -> memref<40x128xf32, #tpu.memory_space<hbm>>
    tpu.wait_dma2 semaphore(%arg15 : memref<!tpu.dma_semaphore, #tpu.memory_space<semaphore_mem>>) src(%arg12 : memref<40x128xf32, #tpu.memory_space<vmem>>) dst(%dma_wait3A_88 : memref<40x128xf32, #tpu.memory_space<hbm>>)
    return
  }
}

module attributes {stable_mosaic.version = 14 : i64} {
  func.func @_tc1_body(%arg0: i32, %arg1: memref<256x512xf32, #tpu.memory_space<vmem>>, %arg2: memref<64x512xf32, #tpu.memory_space<vmem>>, %arg3: memref<1x64xf32, #tpu.memory_space<vmem>>, %arg4: memref<32x32x64xf32, #tpu.memory_space<vmem>>, %arg5: memref<256x64xf32, #tpu.memory_space<vmem>>, %arg6: memref<64x256xf32, #tpu.memory_space<vmem>>, %arg7: memref<256x1024xf32, #tpu.memory_space<vmem>>, %arg8: memref<256x1xi32, #tpu.memory_space<vmem>>, %arg9: memref<256x5xi32, #tpu.memory_space<vmem>>, %arg10: memref<1032x128xf32, #tpu.memory_space<vmem>>) attributes {dimension_semantics = [#tpu.dimension_semantics<arbitrary>], iteration_bounds = array<i64: 4>, scalar_prefetch = 0 : i64, scratch_operands = 0 : i64, tpu.core_type = #tpu.core_type<tc>, window_params = [{transform_indices = @transform_0, window_bounds = array<i64: 256, 512>}, {pipeline_mode = #tpu.pipeline_mode<synchronous>, transform_indices = @transform_1, window_bounds = array<i64: 64, 512>}, {pipeline_mode = #tpu.pipeline_mode<synchronous>, transform_indices = @transform_2, window_bounds = array<i64: 1, 64>}, {pipeline_mode = #tpu.pipeline_mode<synchronous>, transform_indices = @transform_3, window_bounds = array<i64: 32, 32, 64>}, {transform_indices = @transform_4, window_bounds = array<i64: 256, 64>}, {transform_indices = @transform_5, window_bounds = array<i64: 64, 256>}, {transform_indices = @transform_6, window_bounds = array<i64: 256, 1024>}, {transform_indices = @transform_7, window_bounds = array<i64: 256, 1>}, {transform_indices = @transform_8, window_bounds = array<i64: 256, 5>}, {pipeline_mode = #tpu.pipeline_mode<synchronous>, transform_indices = @transform_9, window_bounds = array<i64: 1032, 128>}]} {
    %get3A = arith.constant 0 : index
    %get3A_0 = arith.constant 0 : index
    %get3A_1 = vector.load %arg1[%get3A, %get3A_0] : memref<256x512xf32, #tpu.memory_space<vmem>>, vector<256x512xf32>
    %get3A_2 = arith.constant 0 : index
    %get3A_3 = arith.constant 0 : index
    %get3A_4 = arith.constant 0 : index
    %get3A_5 = vector.load %arg4[%get3A_2, %get3A_3, %get3A_4] : memref<32x32x64xf32, #tpu.memory_space<vmem>>, vector<32x32x64xf32>
    %reshape3A = vector.shape_cast %get3A_5 : vector<32x32x64xf32> to vector<1024x64xf32>
    %transpose3A = tpu.transpose %reshape3A, [1, 0] : vector<1024x64xf32> -> vector<64x1024xf32>
    %get3A_6 = arith.constant 0 : index
    %get3A_7 = arith.constant 0 : index
    %get3A_8 = vector.load %arg2[%get3A_6, %get3A_7] : memref<64x512xf32, #tpu.memory_space<vmem>>, vector<64x512xf32>
    %transpose3A_9 = tpu.transpose %get3A_8, [1, 0] : vector<64x512xf32> -> vector<512x64xf32>
    %dot_general3A = arith.constant dense<0.000000e+00> : vector<256x64xf32>
    %dot_general3A_10 = tpu.matmul %get3A_1, %transpose3A_9, %dot_general3A {dimension_numbers = #tpu.dot_dimension_numbers<[1], [0], [0], [1], [0, 0, 1, 1], [], []>, transpose_lhs_hint = false} : vector<256x512xf32>, vector<512x64xf32>, vector<256x64xf32> -> vector<256x64xf32>
    %get3A_11 = arith.constant 0 : index
    %get3A_12 = arith.constant 0 : index
    %get3A_13 = vector.load %arg3[%get3A_11, %get3A_12] : memref<1x64xf32, #tpu.memory_space<vmem>>, vector<1x64xf32>
    %add3A = vector.broadcast %get3A_13 : vector<1x64xf32> to vector<256x64xf32>
    %add3A_14 = arith.addf %dot_general3A_10, %add3A : vector<256x64xf32>
    %swap3A = arith.constant 0 : index
    %swap3A_15 = arith.constant 0 : index
    %swap3A_16 = vector.load %arg5[%swap3A, %swap3A_15] : memref<256x64xf32, #tpu.memory_space<vmem>>, vector<256x64xf32>
    tpu.vector_store %arg5[%swap3A, %swap3A_15], %add3A_14 {strides = array<i32>} : memref<256x64xf32, #tpu.memory_space<vmem>>, vector<256x64xf32>,
    %transpose3A_17 = tpu.transpose %add3A_14, [1, 0] : vector<256x64xf32> -> vector<64x256xf32>
    %swap3A_18 = arith.constant 0 : index
    %swap3A_19 = arith.constant 0 : index
    %swap3A_20 = vector.load %arg6[%swap3A_18, %swap3A_19] : memref<64x256xf32, #tpu.memory_space<vmem>>, vector<64x256xf32>
    tpu.vector_store %arg6[%swap3A_18, %swap3A_19], %transpose3A_17 {strides = array<i32>} : memref<64x256xf32, #tpu.memory_space<vmem>>, vector<64x256xf32>,
    %mul3A = arith.mulf %transpose3A, %transpose3A : vector<64x1024xf32>
    %reduce_sum3A = arith.constant dense<0.000000e+00> : vector<1024xf32>
    %reduce_sum3A_21 = vector.multi_reduction <add>, %mul3A, %reduce_sum3A [0] : vector<64x1024xf32> to vector<1024xf32>
    %broadcast_in_dim3A = vector.shape_cast %reduce_sum3A_21 : vector<1024xf32> to vector<1x1024xf32>
    %dot_general3A_22 = arith.constant dense<0.000000e+00> : vector<256x1024xf32>
    %dot_general3A_23 = tpu.matmul %add3A_14, %transpose3A, %dot_general3A_22 {dimension_numbers = #tpu.dot_dimension_numbers<[1], [0], [0], [1], [0, 0, 1, 1], [], []>, precision = #tpu.contract_precision<fp32>, transpose_lhs_hint = false} : vector<256x64xf32>, vector<64x1024xf32>, vector<256x1024xf32> -> vector<256x1024xf32>
    %mul3A_24 = arith.constant 2.000000e+00 : f32
    %mul3A_25 = vector.broadcast %mul3A_24 : f32 to vector<256x1024xf32>
    %mul3A_26 = arith.mulf %mul3A_25, %dot_general3A_23 : vector<256x1024xf32>
    %sub3A = vector.broadcast %broadcast_in_dim3A : vector<1x1024xf32> to vector<256x1024xf32>
    %sub3A_27 = arith.subf %sub3A, %mul3A_26 : vector<256x1024xf32>
    %mul3A_28 = arith.mulf %add3A_14, %add3A_14 : vector<256x64xf32>
    %reduce_sum3A_29 = arith.constant dense<0.000000e+00> : vector<256xf32>
    %reduce_sum3A_30 = vector.multi_reduction <add>, %mul3A_28, %reduce_sum3A_29 [1] : vector<256x64xf32> to vector<256xf32>
    %broadcast_in_dim3A_31 = vector.shape_cast %reduce_sum3A_30 : vector<256xf32> to vector<256x1xf32>
    %add3A_32 = vector.broadcast %broadcast_in_dim3A_31 : vector<256x1xf32> to vector<256x1024xf32>
    %add3A_33 = arith.addf %add3A_32, %sub3A_27 : vector<256x1024xf32>
    %swap3A_34 = arith.constant 0 : index
    %swap3A_35 = arith.constant 0 : index
    %swap3A_36 = vector.load %arg7[%swap3A_34, %swap3A_35] : memref<256x1024xf32, #tpu.memory_space<vmem>>, vector<256x1024xf32>
    tpu.vector_store %arg7[%swap3A_34, %swap3A_35], %add3A_33 {strides = array<i32>} : memref<256x1024xf32, #tpu.memory_space<vmem>>, vector<256x1024xf32>,
    %reduce_min3A = arith.constant dense<0x7F800000> : vector<256xf32>
    %reduce_min3A_37 = vector.multi_reduction <minimumf>, %sub3A_27, %reduce_min3A [1] : vector<256x1024xf32> to vector<256xf32>
    %broadcast_in_dim3A_38 = vector.shape_cast %reduce_min3A_37 : vector<256xf32> to vector<256x1xf32>
    %iota3A = tpu.iota {dimensions = array<i32: 1>} : vector<256x1024xi32>
    %le3A = vector.broadcast %broadcast_in_dim3A_38 : vector<256x1xf32> to vector<256x1024xf32>
    %le3A_39 = arith.cmpf ole, %sub3A_27, %le3A : vector<256x1024xf32>
    %jit3A = arith.constant 1073741824 : i32
    %broadcast_in_dim3A_40 = vector.broadcast %jit3A : i32 to vector<256x1024xi32>
    %select_n3A = arith.select %le3A_39, %iota3A, %broadcast_in_dim3A_40 : vector<256x1024xi1>, vector<256x1024xi32>
    %reduce_min3A_41 = arith.constant dense<2147483647> : vector<256xi32>
    %reduce_min3A_42 = vector.multi_reduction <minsi>, %select_n3A, %reduce_min3A_41 [1] : vector<256x1024xi32> to vector<256xi32>
    %broadcast_in_dim3A_43 = vector.shape_cast %reduce_min3A_42 : vector<256xi32> to vector<256x1xi32>
    %swap3A_44 = arith.constant 0 : index
    %swap3A_45 = arith.constant 0 : index
    %swap3A_46 = vector.load %arg8[%swap3A_44, %swap3A_45] : memref<256x1xi32, #tpu.memory_space<vmem>>, vector<256x1xi32>
    tpu.vector_store %arg8[%swap3A_44, %swap3A_45], %broadcast_in_dim3A_43 {strides = array<i32>} : memref<256x1xi32, #tpu.memory_space<vmem>>, vector<256x1xi32>,
    %jit3A_47 = arith.constant 32 : i32
    %div3A = vector.broadcast %jit3A_47 : i32 to vector<256x1xi32>
    %div3A_48 = arith.divsi %broadcast_in_dim3A_43, %div3A : vector<256x1xi32>
    %sign3A = arith.constant 0 : i32
    %sign3A_49 = vector.broadcast %sign3A : i32 to vector<256x1xi32>
    %sign3A_50 = arith.cmpi sgt, %broadcast_in_dim3A_43, %sign3A_49 : vector<256x1xi32>
    %sign3A_51 = arith.extui %sign3A_50 : vector<256x1xi1> to vector<256x1xi32>
    %sign3A_52 = arith.constant 0 : i32
    %sign3A_53 = vector.broadcast %sign3A_52 : i32 to vector<256x1xi32>
    %sign3A_54 = arith.cmpi slt, %broadcast_in_dim3A_43, %sign3A_53 : vector<256x1xi32>
    %sign3A_55 = arith.extui %sign3A_54 : vector<256x1xi1> to vector<256x1xi32>
    %sign3A_56 = arith.subi %sign3A_51, %sign3A_55 : vector<256x1xi32>
    %sign3A_57 = arith.constant 0 : i32
    %sign3A_58 = arith.cmpi sgt, %jit3A_47, %sign3A_57 : i32
    %sign3A_59 = arith.extui %sign3A_58 : i1 to i32
    %sign3A_60 = arith.constant 0 : i32
    %sign3A_61 = arith.cmpi slt, %jit3A_47, %sign3A_60 : i32
    %sign3A_62 = arith.extui %sign3A_61 : i1 to i32
    %sign3A_63 = arith.subi %sign3A_59, %sign3A_62 : i32
    %ne3A = vector.broadcast %sign3A_63 : i32 to vector<256x1xi32>
    %ne3A_64 = arith.cmpi ne, %sign3A_56, %ne3A : vector<256x1xi32>
    %rem3A = vector.broadcast %jit3A_47 : i32 to vector<256x1xi32>
    %rem3A_65 = arith.remsi %broadcast_in_dim3A_43, %rem3A : vector<256x1xi32>
    %ne3A_66 = arith.constant 0 : i32
    %ne3A_67 = vector.broadcast %ne3A_66 : i32 to vector<256x1xi32>
    %ne3A_68 = arith.cmpi ne, %rem3A_65, %ne3A_67 : vector<256x1xi32>
    %and3A = arith.andi %ne3A_64, %ne3A_68 : vector<256x1xi1>
    %sub3A_69 = arith.constant 1 : i32
    %sub3A_70 = vector.broadcast %sub3A_69 : i32 to vector<256x1xi32>
    %sub3A_71 = arith.subi %div3A_48, %sub3A_70 : vector<256x1xi32>
    %select_n3A_72 = arith.select %and3A, %sub3A_71, %div3A_48 : vector<256x1xi1>, vector<256x1xi32>
    %jit3A_73 = arith.constant 32 : i32
    %eq3A = arith.constant 0 : i32
    %eq3A_74 = arith.cmpi eq, %jit3A_73, %eq3A : i32
    %jit3A_75 = arith.constant 1 : i32
    %select_n3A_76 = arith.select %eq3A_74, %jit3A_75, %jit3A_73 : i32
    %rem3A_77 = vector.broadcast %select_n3A_76 : i32 to vector<256x1xi32>
    %rem3A_78 = arith.remsi %broadcast_in_dim3A_43, %rem3A_77 : vector<256x1xi32>
    %ne3A_79 = arith.constant 0 : i32
    %ne3A_80 = vector.broadcast %ne3A_79 : i32 to vector<256x1xi32>
    %ne3A_81 = arith.cmpi ne, %rem3A_78, %ne3A_80 : vector<256x1xi32>
    %lt3A = arith.constant 0 : i32
    %lt3A_82 = vector.broadcast %lt3A : i32 to vector<256x1xi32>
    %lt3A_83 = arith.cmpi slt, %rem3A_78, %lt3A_82 : vector<256x1xi32>
    %lt3A_84 = arith.constant 0 : i32
    %lt3A_85 = arith.cmpi slt, %select_n3A_76, %lt3A_84 : i32
    %ne3A_86 = vector.broadcast %lt3A_85 : i1 to vector<256x1xi1>
    %ne3A_87 = vector.broadcast %ne3A_86 : vector<256x1xi1> to vector<256x1xi1>
    %ne3A_88 = arith.xori %lt3A_83, %ne3A_87 : vector<256x1xi1>
    %and3A_89 = arith.andi %ne3A_88, %ne3A_81 : vector<256x1xi1>
    %add3A_90 = vector.broadcast %select_n3A_76 : i32 to vector<256x1xi32>
    %add3A_91 = arith.addi %rem3A_78, %add3A_90 : vector<256x1xi32>
    %select_n3A_92 = arith.select %and3A_89, %add3A_91, %rem3A_78 : vector<256x1xi1>, vector<256x1xi32>
    %iota3A_93 = tpu.iota {dimensions = array<i32: 0>} : vector<256x1xi32>
    %and3A_94 = arith.constant 7 : i32
    %and3A_95 = vector.broadcast %and3A_94 : i32 to vector<256x1xi32>
    %and3A_96 = arith.andi %iota3A_93, %and3A_95 : vector<256x1xi32>
    %add3A_97 = arith.constant 1024 : i32
    %add3A_98 = vector.broadcast %add3A_97 : i32 to vector<256x1xi32>
    %add3A_99 = arith.addi %add3A_98, %and3A_96 : vector<256x1xi32>
    %lt3A_100 = arith.constant 31 : i32
    %lt3A_101 = vector.broadcast %lt3A_100 : i32 to vector<256x1xi32>
    %lt3A_102 = arith.cmpi slt, %select_n3A_72, %lt3A_101 : vector<256x1xi32>
    %add3A_103 = arith.constant 32 : i32
    %add3A_104 = vector.broadcast %add3A_103 : i32 to vector<256x1xi32>
    %add3A_105 = arith.addi %broadcast_in_dim3A_43, %add3A_104 : vector<256x1xi32>
    %select_n3A_106 = arith.select %lt3A_102, %add3A_105, %add3A_99 : vector<256x1xi1>, vector<256x1xi32>
    %gt3A = arith.constant 0 : i32
    %gt3A_107 = vector.broadcast %gt3A : i32 to vector<256x1xi32>
    %gt3A_108 = arith.cmpi sgt, %select_n3A_72, %gt3A_107 : vector<256x1xi32>
    %sub3A_109 = arith.constant 32 : i32
    %sub3A_110 = vector.broadcast %sub3A_109 : i32 to vector<256x1xi32>
    %sub3A_111 = arith.subi %broadcast_in_dim3A_43, %sub3A_110 : vector<256x1xi32>
    %select_n3A_112 = arith.select %gt3A_108, %sub3A_111, %add3A_99 : vector<256x1xi1>, vector<256x1xi32>
    %gt3A_113 = arith.constant 0 : i32
    %gt3A_114 = vector.broadcast %gt3A_113 : i32 to vector<256x1xi32>
    %gt3A_115 = arith.cmpi sgt, %select_n3A_92, %gt3A_114 : vector<256x1xi32>
    %sub3A_116 = arith.constant 1 : i32
    %sub3A_117 = vector.broadcast %sub3A_116 : i32 to vector<256x1xi32>
    %sub3A_118 = arith.subi %broadcast_in_dim3A_43, %sub3A_117 : vector<256x1xi32>
    %select_n3A_119 = arith.select %gt3A_115, %sub3A_118, %add3A_99 : vector<256x1xi1>, vector<256x1xi32>
    %concatenate3A = tpu.concatenate %broadcast_in_dim3A_43, %select_n3A_106, %select_n3A_112, %add3A_99, %select_n3A_119 in 1 : vector<256x1xi32>, vector<256x1xi32>, vector<256x1xi32>, vector<256x1xi32>, vector<256x1xi32> -> vector<256x5xi32>
    %swap3A_120 = arith.constant 0 : index
    %swap3A_121 = arith.constant 0 : index
    %swap3A_122 = vector.load %arg9[%swap3A_120, %swap3A_121] : memref<256x5xi32, #tpu.memory_space<vmem>>, vector<256x5xi32>
    tpu.vector_store %arg9[%swap3A_120, %swap3A_121], %concatenate3A {strides = array<i32>} : memref<256x5xi32, #tpu.memory_space<vmem>>, vector<256x5xi32>,
    %eq3A_123 = arith.constant 0 : i32
    %eq3A_124 = arith.cmpi eq, %arg0, %eq3A_123 : i32
    %convert_element_type3A = arith.extui %eq3A_124 : i1 to i32
    %cond3A = arith.constant 0 : i32
    %cond3A_125 = arith.cmpi ne, %convert_element_type3A, %cond3A : i32
    scf.if %cond3A_125 {
      %broadcast_in_dim3A_126 = arith.constant 0.000000e+00 : f32
      %broadcast_in_dim3A_127 = vector.broadcast %broadcast_in_dim3A_126 : f32 to vector<1032x128xf32>
      %swap3A_128 = arith.constant 0 : index
      %swap3A_129 = arith.constant 0 : index
      %swap3A_130 = vector.load %arg10[%swap3A_128, %swap3A_129] : memref<1032x128xf32, #tpu.memory_space<vmem>>, vector<1032x128xf32>
      tpu.vector_store %arg10[%swap3A_128, %swap3A_129], %broadcast_in_dim3A_127 {strides = array<i32>} : memref<1032x128xf32, #tpu.memory_space<vmem>>, vector<1032x128xf32>,
      %swap3A_131 = arith.constant 0 : index
      %swap3A_132 = arith.constant 0 : index
      %swap3A_133 = vector.load %arg10[%swap3A_131, %swap3A_132] : memref<1032x128xf32, #tpu.memory_space<vmem>>, vector<1024x64xf32>
      tpu.vector_store %arg10[%swap3A_131, %swap3A_132], %reshape3A {strides = array<i32>} : memref<1032x128xf32, #tpu.memory_space<vmem>>, vector<1024x64xf32>,
    } else {
    }
    return
  }
  func.func @transform_0(%arg0: i32) -> (i32, i32) {
    %c0_i32 = arith.constant 0 : i32
    %c0_i32_0 = arith.constant 0 : i32
    return %arg0, %c0_i32 : i32, i32
  }
  func.func @transform_1(%arg0: i32) -> (i32, i32) {
    %c0_i32 = arith.constant 0 : i32
    %c0_i32_0 = arith.constant 0 : i32
    %c0_i32_1 = arith.constant 0 : i32
    return %c0_i32, %c0_i32_0 : i32, i32
  }
  func.func @transform_2(%arg0: i32) -> (i32, i32) {
    %c0_i32 = arith.constant 0 : i32
    %c0_i32_0 = arith.constant 0 : i32
    %c0_i32_1 = arith.constant 0 : i32
    return %c0_i32, %c0_i32_0 : i32, i32
  }
  func.func @transform_3(%arg0: i32) -> (i32, i32, i32) {
    %c0_i32 = arith.constant 0 : i32
    %c0_i32_0 = arith.constant 0 : i32
    %c0_i32_1 = arith.constant 0 : i32
    %c0_i32_2 = arith.constant 0 : i32
    return %c0_i32, %c0_i32_0, %c0_i32_1 : i32, i32, i32
  }
  func.func @transform_4(%arg0: i32) -> (i32, i32) {
    %c0_i32 = arith.constant 0 : i32
    %c0_i32_0 = arith.constant 0 : i32
    return %arg0, %c0_i32 : i32, i32
  }
  func.func @transform_5(%arg0: i32) -> (i32, i32) {
    %c0_i32 = arith.constant 0 : i32
    %c0_i32_0 = arith.constant 0 : i32
    return %c0_i32, %arg0 : i32, i32
  }
  func.func @transform_6(%arg0: i32) -> (i32, i32) {
    %c0_i32 = arith.constant 0 : i32
    %c0_i32_0 = arith.constant 0 : i32
    return %arg0, %c0_i32 : i32, i32
  }
  func.func @transform_7(%arg0: i32) -> (i32, i32) {
    %c0_i32 = arith.constant 0 : i32
    %c0_i32_0 = arith.constant 0 : i32
    return %arg0, %c0_i32 : i32, i32
  }
  func.func @transform_8(%arg0: i32) -> (i32, i32) {
    %c0_i32 = arith.constant 0 : i32
    %c0_i32_0 = arith.constant 0 : i32
    return %arg0, %c0_i32 : i32, i32
  }
  func.func @transform_9(%arg0: i32) -> (i32, i32) {
    %c0_i32 = arith.constant 0 : i32
    %c0_i32_0 = arith.constant 0 : i32
    %c0_i32_1 = arith.constant 0 : i32
    return %c0_i32, %c0_i32_0 : i32, i32
  }
}

module attributes {stable_mosaic.version = 14 : i64} {
  func.func @_tc2_body(%arg0: i32, %arg1: memref<256x64xf32, #tpu.memory_space<vmem>>, %arg2: memref<256x1xi32, #tpu.memory_space<vmem>>, %arg3: memref<32x32x64xf32, #tpu.memory_space<vmem>>, %arg4: memref<64x512xf32, #tpu.memory_space<vmem>>, %arg5: memref<1x512xf32, #tpu.memory_space<vmem>>, %arg6: memref<64x512xf32, #tpu.memory_space<vmem>>, %arg7: memref<1x512xf32, #tpu.memory_space<vmem>>, %arg8: memref<64x256xf32, #tpu.memory_space<vmem>>, %arg9: memref<256x512xf32, #tpu.memory_space<vmem>>, %arg10: memref<256x512xf32, #tpu.memory_space<vmem>>) attributes {dimension_semantics = [#tpu.dimension_semantics<arbitrary>], iteration_bounds = array<i64: 4>, scalar_prefetch = 0 : i64, scratch_operands = 0 : i64, tpu.core_type = #tpu.core_type<tc>, window_params = [{transform_indices = @transform_0, window_bounds = array<i64: 256, 64>}, {transform_indices = @transform_1, window_bounds = array<i64: 256, 1>}, {pipeline_mode = #tpu.pipeline_mode<synchronous>, transform_indices = @transform_2, window_bounds = array<i64: 32, 32, 64>}, {pipeline_mode = #tpu.pipeline_mode<synchronous>, transform_indices = @transform_3, window_bounds = array<i64: 64, 512>}, {pipeline_mode = #tpu.pipeline_mode<synchronous>, transform_indices = @transform_4, window_bounds = array<i64: 1, 512>}, {pipeline_mode = #tpu.pipeline_mode<synchronous>, transform_indices = @transform_5, window_bounds = array<i64: 64, 512>}, {pipeline_mode = #tpu.pipeline_mode<synchronous>, transform_indices = @transform_6, window_bounds = array<i64: 1, 512>}, {transform_indices = @transform_7, window_bounds = array<i64: 64, 256>}, {transform_indices = @transform_8, window_bounds = array<i64: 256, 512>}, {transform_indices = @transform_9, window_bounds = array<i64: 256, 512>}]} {
    %get3A = arith.constant 0 : index
    %get3A_0 = arith.constant 0 : index
    %get3A_1 = vector.load %arg1[%get3A, %get3A_0] : memref<256x64xf32, #tpu.memory_space<vmem>>, vector<256x64xf32>
    %get3A_2 = arith.constant 0 : index
    %get3A_3 = arith.constant 0 : index
    %get3A_4 = vector.load %arg2[%get3A_2, %get3A_3] : memref<256x1xi32, #tpu.memory_space<vmem>>, vector<256x1xi32>
    %iota3A = tpu.iota {dimensions = array<i32: 1>} : vector<256x1024xi32>
    %eq3A = vector.broadcast %get3A_4 : vector<256x1xi32> to vector<256x1024xi32>
    %eq3A_5 = arith.cmpi eq, %iota3A, %eq3A : vector<256x1024xi32>
    %convert_element_type3A = arith.extui %eq3A_5 : vector<256x1024xi1> to vector<256x1024xi32>
    %convert_element_type3A_6 = arith.sitofp %convert_element_type3A : vector<256x1024xi32> to vector<256x1024xf32>
    %get3A_7 = arith.constant 0 : index
    %get3A_8 = arith.constant 0 : index
    %get3A_9 = arith.constant 0 : index
    %get3A_10 = vector.load %arg3[%get3A_7, %get3A_8, %get3A_9] : memref<32x32x64xf32, #tpu.memory_space<vmem>>, vector<32x32x64xf32>
    %reshape3A = vector.shape_cast %get3A_10 : vector<32x32x64xf32> to vector<1024x64xf32>
    %dot_general3A = arith.constant dense<0.000000e+00> : vector<256x64xf32>
    %dot_general3A_11 = tpu.matmul %convert_element_type3A_6, %reshape3A, %dot_general3A {dimension_numbers = #tpu.dot_dimension_numbers<[1], [0], [0], [1], [0, 0, 1, 1], [], []>, precision = #tpu.contract_precision<fp32>, transpose_lhs_hint = false} : vector<256x1024xf32>, vector<1024x64xf32>, vector<256x64xf32> -> vector<256x64xf32>
    %transpose3A = tpu.transpose %dot_general3A_11, [1, 0] : vector<256x64xf32> -> vector<64x256xf32>
    %swap3A = arith.constant 0 : index
    %swap3A_12 = arith.constant 0 : index
    %swap3A_13 = vector.load %arg8[%swap3A, %swap3A_12] : memref<64x256xf32, #tpu.memory_space<vmem>>, vector<64x256xf32>
    tpu.vector_store %arg8[%swap3A, %swap3A_12], %transpose3A {strides = array<i32>} : memref<64x256xf32, #tpu.memory_space<vmem>>, vector<64x256xf32>,
    %get3A_14 = arith.constant 0 : index
    %get3A_15 = arith.constant 0 : index
    %get3A_16 = vector.load %arg4[%get3A_14, %get3A_15] : memref<64x512xf32, #tpu.memory_space<vmem>>, vector<64x512xf32>
    %dot_general3A_17 = arith.constant dense<0.000000e+00> : vector<256x512xf32>
    %dot_general3A_18 = tpu.matmul %dot_general3A_11, %get3A_16, %dot_general3A_17 {dimension_numbers = #tpu.dot_dimension_numbers<[1], [0], [0], [1], [0, 0, 1, 1], [], []>, transpose_lhs_hint = false} : vector<256x64xf32>, vector<64x512xf32>, vector<256x512xf32> -> vector<256x512xf32>
    %get3A_19 = arith.constant 0 : index
    %get3A_20 = arith.constant 0 : index
    %get3A_21 = vector.load %arg5[%get3A_19, %get3A_20] : memref<1x512xf32, #tpu.memory_space<vmem>>, vector<1x512xf32>
    %add3A = vector.broadcast %get3A_21 : vector<1x512xf32> to vector<256x512xf32>
    %add3A_22 = arith.addf %dot_general3A_18, %add3A : vector<256x512xf32>
    %swap3A_23 = arith.constant 0 : index
    %swap3A_24 = arith.constant 0 : index
    %swap3A_25 = vector.load %arg9[%swap3A_23, %swap3A_24] : memref<256x512xf32, #tpu.memory_space<vmem>>, vector<256x512xf32>
    tpu.vector_store %arg9[%swap3A_23, %swap3A_24], %add3A_22 {strides = array<i32>} : memref<256x512xf32, #tpu.memory_space<vmem>>, vector<256x512xf32>,
    %get3A_26 = arith.constant 0 : index
    %get3A_27 = arith.constant 0 : index
    %get3A_28 = vector.load %arg6[%get3A_26, %get3A_27] : memref<64x512xf32, #tpu.memory_space<vmem>>, vector<64x512xf32>
    %dot_general3A_29 = arith.constant dense<0.000000e+00> : vector<256x512xf32>
    %dot_general3A_30 = tpu.matmul %get3A_1, %get3A_28, %dot_general3A_29 {dimension_numbers = #tpu.dot_dimension_numbers<[1], [0], [0], [1], [0, 0, 1, 1], [], []>, transpose_lhs_hint = false} : vector<256x64xf32>, vector<64x512xf32>, vector<256x512xf32> -> vector<256x512xf32>
    %get3A_31 = arith.constant 0 : index
    %get3A_32 = arith.constant 0 : index
    %get3A_33 = vector.load %arg7[%get3A_31, %get3A_32] : memref<1x512xf32, #tpu.memory_space<vmem>>, vector<1x512xf32>
    %add3A_34 = vector.broadcast %get3A_33 : vector<1x512xf32> to vector<256x512xf32>
    %add3A_35 = arith.addf %dot_general3A_30, %add3A_34 : vector<256x512xf32>
    %swap3A_36 = arith.constant 0 : index
    %swap3A_37 = arith.constant 0 : index
    %swap3A_38 = vector.load %arg10[%swap3A_36, %swap3A_37] : memref<256x512xf32, #tpu.memory_space<vmem>>, vector<256x512xf32>
    tpu.vector_store %arg10[%swap3A_36, %swap3A_37], %add3A_35 {strides = array<i32>} : memref<256x512xf32, #tpu.memory_space<vmem>>, vector<256x512xf32>,
    return
  }
  func.func @transform_0(%arg0: i32) -> (i32, i32) {
    %c0_i32 = arith.constant 0 : i32
    %c0_i32_0 = arith.constant 0 : i32
    return %arg0, %c0_i32 : i32, i32
  }
  func.func @transform_1(%arg0: i32) -> (i32, i32) {
    %c0_i32 = arith.constant 0 : i32
    %c0_i32_0 = arith.constant 0 : i32
    return %arg0, %c0_i32 : i32, i32
  }
  func.func @transform_2(%arg0: i32) -> (i32, i32, i32) {
    %c0_i32 = arith.constant 0 : i32
    %c0_i32_0 = arith.constant 0 : i32
    %c0_i32_1 = arith.constant 0 : i32
    %c0_i32_2 = arith.constant 0 : i32
    return %c0_i32, %c0_i32_0, %c0_i32_1 : i32, i32, i32
  }
  func.func @transform_3(%arg0: i32) -> (i32, i32) {
    %c0_i32 = arith.constant 0 : i32
    %c0_i32_0 = arith.constant 0 : i32
    %c0_i32_1 = arith.constant 0 : i32
    return %c0_i32, %c0_i32_0 : i32, i32
  }
  func.func @transform_4(%arg0: i32) -> (i32, i32) {
    %c0_i32 = arith.constant 0 : i32
    %c0_i32_0 = arith.constant 0 : i32
    %c0_i32_1 = arith.constant 0 : i32
    return %c0_i32, %c0_i32_0 : i32, i32
  }
  func.func @transform_5(%arg0: i32) -> (i32, i32) {
    %c0_i32 = arith.constant 0 : i32
    %c0_i32_0 = arith.constant 0 : i32
    %c0_i32_1 = arith.constant 0 : i32
    return %c0_i32, %c0_i32_0 : i32, i32
  }
  func.func @transform_6(%arg0: i32) -> (i32, i32) {
    %c0_i32 = arith.constant 0 : i32
    %c0_i32_0 = arith.constant 0 : i32
    %c0_i32_1 = arith.constant 0 : i32
    return %c0_i32, %c0_i32_0 : i32, i32
  }
  func.func @transform_7(%arg0: i32) -> (i32, i32) {
    %c0_i32 = arith.constant 0 : i32
    %c0_i32_0 = arith.constant 0 : i32
    return %c0_i32, %arg0 : i32, i32
  }
  func.func @transform_8(%arg0: i32) -> (i32, i32) {
    %c0_i32 = arith.constant 0 : i32
    %c0_i32_0 = arith.constant 0 : i32
    return %arg0, %c0_i32 : i32, i32
  }
  func.func @transform_9(%arg0: i32) -> (i32, i32) {
    %c0_i32 = arith.constant 0 : i32
    %c0_i32_0 = arith.constant 0 : i32
    return %arg0, %c0_i32 : i32, i32
  }
}

</mosaic_0001>

<sc_bundles>
// kernel: kernel.5.cloned.1.call-start
scs
__scs_entry_jumppad:
0x0: {  	(pc) =	sbr.rel $0x88, $3  }
0x1: {  	(tag) =	ssettag $0x0;
	lr =	simm.s32 $0x1  }
0x2: {  	[smem:$0x3F99] =	sst lr;
	_ =	strace $0xD0000000  }
0x3: {  	_ = 	snop  }
0x4: {  	_ = 	snop  }
0x5: {  	_ = 	snop  }
0x6: {  	_ = 	snop  }
0x7: {  	_ = 	snop  }
__scs_overlays_trampoline_lowered:
0x8: {  	[smem:$0x3FA8] =	sst s0  }
0x9: {  	[smem:$0x3FA9] =	sst s1  }
0xa: {  	[smem:$0x3FAA] =	sst s2  }
0xb: {  	[smem:$0x3FAB] =	sst s3  }
0xc: {  	[smem:$0x3FAC] =	sst s4  }
0xd: {  	[smem:$0x3FAD] =	sst s5  }
0xe: {  	[smem:$0x3FAE] =	sst s6  }
0xf: {  	[smem:$0x3FAF] =	sst s7  }
0x10: {  	[smem:$0x3FB0] =	sst s8  }
0x11: {  	[smem:$0x3FB1] =	sst s9;
	s0 =	simm.s32 @!p0 $0x0  }
0x12: {  	s1 =	sld [smem:$0x3F97];
	s0 =	simm.s32 @p0 $0x1  }
0x13: {  	[smem:$0x3FB2] =	sst s0;
	s0 =	simm.s32 @!p1 $0x0  }
0x14: {  	s2 =	sld [smem:$0x3F96];
	s0 =	simm.s32 @p1 $0x1  }
0x15: {  	[smem:$0x3FB3] =	sst s0;
	s0 =	simm.s32 @!p2 $0x0  }
0x16: {  	s3 =	sld [smem:$0x3FDB];
	s0 =	simm.s32 @p2 $0x1  }
0x17: {  	s4 =	simm.s32 $0x1BF5;
	[smem:$0x3FB5] =	sst s0  }
0x18: {  	s0 =	sld [smem:$0x3F98];
	_ =	swait.ge [sflag:s4], $0x0  }
0x19: {  	s7 =	sld [smem:$0x3F99]  }
0x1a: {  	s8 =	sadd.s32 $0xFFFFE003, lr  }
0x1b: {  	s9 =	sadd.s32 $0xFFFFFEF7, lr;
	s5 =	simm.s32 $0xFFFFFFFF;
	p2 =	slt.u32 s8, $0xFFFFF086  }
0x1c: {  	p1 =	slt.u32 s9, $0xF7A;
	s5 =	simm.s32 @!p2 $0x0  }
0x1d: {  	s5 =	simm.s32 @p1 $0x1;
	p0 =	seq.s32 s7, s2  }
0x1e: {  	s7 =	smul.u32 @!p0 $0xF7A, s2;
	p2 =	seq.s32 @!p0 s5, $0x0  }
0x1f: {  	s9 =	smul.u32 $0xF7A, s1;
	s8 =	simm.s32 @!p0 $0x1BF5;
	p2 =	por !p2, p0  }
0x20: {  	[sflag:s8] =	ssyncset.s32 @!p0 $0xFFFFF086;
	s6 =	sadd.s32 @!p0 s3, s7;
	s7 =	simm.s32 @!p0 $0x108  }
0x21: {  	s3 =	sadd.s32 s3, s9;
	s6 =	sadd.s32 @!p0 $0x88, s6;
	s7 =	simm.s32 @p2 $0x1082  }
0x22: {  	[simem:s7], [sflag:s8] =	dma.local @!p0 [hbm:s6], $0xF7A  }
0x23: {  	s9 =	sor.u32 $0xD0000000, s2;
	s6 =	simm.s32 $0x108;
	_ =	swait.ge @!p0 [sflag:s8], $0x0  }
0x24: {  	s3 =	sadd.s32 $0x88, s3;
	s6 =	simm.s32 @!p1 $0x1082;
	[sflag:s4] =	ssyncset.s32 $0xFFFFF086  }
0x25: {  	[simem:s6], [sflag:s4] =	dma.local [hbm:s3], $0xF7A  }
0x26: {  	[smem:$0x3F99] =	sst s1;
	(tag) =	ssettag s2;
	_ =	strace s9  }
0x27: {  	s1 =	sld [smem:$0x3FA9]  }
0x28: {  	s2 =	sld [smem:$0x3FAA]  }
0x29: {  	s4 =	sld [smem:$0x3FAC]  }
0x2a: {  	p0 =	seq.s32 s5, $0x0;
	s5 =	sld [smem:$0x3FAD]  }
0x2b: {  	s6 =	sld [smem:$0x3FAE]  }
0x2c: {  	s7 =	sld [smem:$0x3FAF]  }
0x2d: {  	s3 =	simm.s32 $0x108;
	s8 =	sld [smem:$0x3FB0]  }
0x2e: {  	s3 =	simm.s32 @!p0 $0x1082;
	s9 =	sld [smem:$0x3FB1]  }
0x2f: {  	lr =	sadd.s32 s0, s3;
	s0 =	sld [smem:$0x3FA8]  }
0x30: {  	s3 =	sld [smem:$0x3FAB]  }
0x31: {  	[smem:$0x3FB4] =	sst s10  }
0x32: {  	s10 =	sld [smem:$0x3FB2];
	_ =	sdelay $0x3  }
0x33: {  	p0 =	seq.s32 s10, $0x1;
	s10 =	sld [smem:$0x3FB4];
	_ =	sdelay $0x3  }
0x34: {  	[smem:$0x3FB4] =	sst s10  }
0x35: {  	s10 =	sld [smem:$0x3FB3];
	_ =	sdelay $0x3  }
0x36: {  	p1 =	seq.s32 s10, $0x1;
	s10 =	sld [smem:$0x3FB4];
	_ =	sdelay $0x3  }
0x37: {  	[smem:$0x3FB4] =	sst s10  }
0x38: {  	s10 =	sld [smem:$0x3FB5]  }
0x39: {  	_ = 	snop;
	(pc) =	sbr.ind lr, $3  }
0x3a: {  	_ = 	snop  }
0x3b: {  	_ = 	snop  }
0x3c: {  	p2 =	seq.s32 s10, $0x1;
	s10 =	sld [smem:$0x3FB4]  }
0x3d: {  	_ =	shalt  }
0x3e: {  	_ =	shalt  }
0x3f: {  	_ =	shalt  }
0x40: {  	_ =	shalt  }
0x41: {  	_ =	shalt  }
0x42: {  	_ =	shalt  }
0x43: {  	_ =	shalt  }
0x44: {  	_ =	shalt  }
0x45: {  	_ =	shalt  }
0x46: {  	_ =	shalt  }
0x47: {  	_ =	shalt  }
0x48: {  	_ =	shalt  }
0x49: {  	_ =	shalt  }
0x4a: {  	_ =	shalt  }
0x4b: {  	_ =	shalt  }
0x4c: {  	_ =	shalt  }
0x4d: {  	_ =	shalt  }
0x4e: {  	_ =	shalt  }
0x4f: {  	_ =	shalt  }
0x50: {  	_ =	shalt  }
0x51: {  	_ =	shalt  }
0x52: {  	_ =	shalt  }
0x53: {  	_ =	shalt  }
0x54: {  	_ =	shalt  }
0x55: {  	_ =	shalt  }
0x56: {  	_ =	shalt  }
0x57: {  	_ =	shalt  }
0x58: {  	_ =	shalt  }
0x59: {  	_ =	shalt  }
0x5a: {  	_ =	shalt  }
0x5b: {  	_ =	shalt  }
0x5c: {  	_ =	shalt  }
0x5d: {  	_ =	shalt  }
0x5e: {  	_ =	shalt  }
0x5f: {  	_ =	shalt  }
0x60: {  	_ =	shalt  }
0x61: {  	_ =	shalt  }
0x62: {  	_ =	shalt  }
0x63: {  	_ =	shalt  }
0x64: {  	_ =	shalt  }
0x65: {  	_ =	shalt  }
0x66: {  	_ =	shalt  }
0x67: {  	_ =	shalt  }
0x68: {  	_ =	shalt  }
0x69: {  	_ =	shalt  }
0x6a: {  	_ =	shalt  }
0x6b: {  	_ =	shalt  }
0x6c: {  	_ =	shalt  }
0x6d: {  	_ =	shalt  }
0x6e: {  	_ =	shalt  }
0x6f: {  	_ =	shalt  }
0x70: {  	_ =	shalt  }
0x71: {  	_ =	shalt  }
0x72: {  	_ =	shalt  }
0x73: {  	_ =	shalt  }
0x74: {  	_ =	shalt  }
0x75: {  	_ =	shalt  }
0x76: {  	_ =	shalt  }
0x77: {  	_ =	shalt  }
0x78: {  	_ =	shalt  }
0x79: {  	_ =	shalt  }
0x7a: {  	_ =	shalt  }
0x7b: {  	_ =	shalt  }
0x7c: {  	_ =	shalt  }
0x7d: {  	_ =	shalt  }
0x7e: {  	_ =	shalt  }
0x7f: {  	_ =	shalt  }
0x80: {  	_ =	shalt  }
0x81: {  	_ =	shalt  }
0x82: {  	_ =	shalt  }
0x83: {  	_ =	shalt  }
0x84: {  	_ =	shalt  }
0x85: {  	_ =	shalt  }
0x86: {  	_ =	shalt  }
0x87: {  	_ =	shalt  }
.Lfunc_end0:
.L_simem_size_0:
called_computation_lowered:
.L_overlay_start_0:
0x88: {  	s2 =	sld [smem:$0x3FD9]  }
0x89: {  	s3 =	sld [smem:$0x3FFE];
	_ =	sdelay $0x1  }
0x8a: {  	s1 =	srdreg.scid  }
0x8b: {  	s0 =	sand.u32 $0x1, s1  }
0x8c: {  	s14 =	sshll.u32 s0, $0xA;
	s2 =	sadd.s32 s3, s2  }
0x8d: {  	s2 =	sadd.s32 s2, s14  }
0x8e: {  	[smem:$0x3FC0] =	sst s2  }
0x8f: {  	_ = 	snop  }
0x90: {  	s2 =	sld [smem:$0x3FD0];
	_ =	sdelay $0x2  }
0x91: {  	s15 =	simm.s32 $0xA;
	s4 =	simm.s32 $0x10  }
0x92: {  	[smem:s4], [sflag:s15] =	dma.local [hbm:s2], $0x1  }
0x93: {  	_ =	swait.eq [sflag:s15], $0x1  }
0x94: {  	[sflag:s15] =	ssyncset.done $0x0  }
0x95: {  	[sflag:s15] =	ssyncadd.s32 $0xFFFFFFFF  }
0x96: {  	s16 =	sld [smem:$0x14];
	(tm) =	ssettm $0x1  }
0x97: {  	s17 =	sld [smem:$0x3FFB];
	_ =	sdelay $0x3  }
0x98: {  	_ =	strace s17  }
0x99: {  	s3 =	sld [smem:$0x3FFC];
	_ =	sdelay $0x3  }
0x9a: {  	_ =	strace s3  }
0x9b: {  	s3 =	sld [smem:$0x3FFD];
	_ =	sdelay $0x3  }
0x9c: {  	_ =	strace s3  }
0x9d: {  	_ =	strace $0x8FFFFFFF  }
0x9e: {  	s18 =	sld [smem:$0x3FDB];
	_ =	sdelay $0x1  }
0x9f: {  	s19 =	simm.s32 $_scs_section_size  }
0xa0: {  	s5 =	simm.s32 $_size__tile_overlayer_lowered;
	s6 =	simm.s32 $_tile_overlayer_lowered  }
0xa1: {  	s22 =	simm.s32 $0x1BFF;
	s21 =	sshll.u32 s6, $0x1;
	s3 =	sadd.s32 s19, s18  }
0xa2: {  	s7 =	simm.s32 $0x0;
	s20 =	sshll.u32 s5, $0x1;
	s5 =	sadd.s32 s21, s3  }
0xa3: {  	[timem:s7], [sflag:s22] =	dma.local [hbm:s5], s20  }
0xa4: {  	_ =	swait.ge [sflag:s22], s20  }
0xa5: {  	s4 =	ssub.s32 $0x0, s20;
	[sflag:s22] =	ssyncset.done $0x0  }
0xa6: {  	[sflag:s22] =	ssyncadd.s32 s4;
	_ =	sdelay $0x1  }
0xa7: {  	s23 =	simm.s32 $0x1B8B  }
0xa8: {  	_ =	swait.ge [sflag:s23], $0x1  }
0xa9: {  	[sflag:s23] =	ssyncset.done $0x0  }
0xaa: {  	s25 =	simm.s32 $0x1B8E;
	s24 =	sld [smem:$0x3FFE];
	[sflag:s23] =	ssyncadd.s32 $0xFFFFFFFF  }
0xab: {  	s26 =	simm.s32 $execute0_lowered;
	[smem:$0x3FD2] =	sst s25  }
0xac: {  	s5 =	sshll.u32 s26, $0x1;
	_ =	strace $0x80000046;
	[dreg:$0x1] =	wrdreg $0xFFFFFFFF  }
0xad: {  	s28 =	simm.s32 $_size_execute0_lowered;
	s3 =	sadd.s32 s3, s5;
	[dreg:$0x0] =	wrdreg $0x0  }
0xae: {  	s5 =	sshll.u32 s28, $0x1;
	[dreg:$0x2] =	wrdreg s3  }
0xaf: {  	[dreg:$0x3] =	wrdreg s5  }
0xb0: {  	[dreg:$0x4] =	wrdreg $0xC0  }
0xb1: {  	_ =	task [dreg:s7], $0x5FFFF  }
0xb2: {  	[dreg:$0x1] =	wrdreg $0xFFFFFFFF  }
0xb3: {  	[dreg:$0x0] =	wrdreg $0x60  }
0xb4: {  	[dreg:$0x2] =	wrdreg s16  }
0xb5: {  	[dreg:$0x3] =	wrdreg s24  }
0xb6: {  	[dreg:$0x4] =	wrdreg $0x9  }
0xb7: {  	_ =	task.clear_ibuf [dreg:s7], $0x5FFFF;
	_ =	strace $0x90000046  }
0xb8: {  	s29 =	simm.s32 $0x9;
	_ =	strace $0x80000048  }
0xb9: {  	_ =	swait.ge [sflag:s29], $0x1  }
0xba: {  	[sflag:s29] =	ssyncadd.s32 $0xFFFFFFFF  }
0xbb: {  	_ =	strace $0x90000048  }
0xbc: {  	_ =	sfence  }
0xbd: {  	s30 =	sld [smem:$0x0];
	_ =	sdelay $0x2  }
0xbe: {  	s31 =	sshll.u32 s1, $0xD;
	s1 =	sshrl.u32 s1, $0x2  }
0xbf: {  	s3 =	sand.u32 $0x4000, s31;
	s1 =	sadd.s32 s1, s30  }
0xc0: {  	s0 =	sor.u32 s3, s0;
	s1 =	sshll.u32 s1, $0x11  }
0xc1: {  	s0 =	sor.u32 s1, s0  }
0xc2: {  	s0 =	sadd.s32 $0x8F2B, s0  }
0xc3: {  	[sflag:s0] =	ssyncadd.remote.s32 $0x1  }
0xc4: {  	_ =	sfence.sel $0xFFFF  }
0xc5: {  	[dreg:$0x0] =	wrdreg $0xFFFFFFFF;
	(pc) =	sbr.abs _section_cstart, $3  }
0xc6: {  	[dreg:$0x1] =	wrdreg $0xFFFFFFFF  }
0xc7: {  	_ =	task.clear_ibuf [dreg:s7], $0x2FFFF;
	_ =	strace $0x9FFFFFFF  }
0xc8: {  	(tm) =	ssettm $0x7FFFFFFF  }
0xc9: {  	_ =	shalt  }
tec
execute0_lowered:
.L_overlay_start_1:
0x0: {  	(tag) =	ssettag $0x1  }
0x1: {  	s1 =	srdreg.scid;
	s0 =	stileid.u32  }
0x2: {  	s2 =	rddreg [dreg:$0x0];
	s23 =	sand.u32 $0x1, s1;
	s26 =	sshll.u32 s0, $0x1  }
0x3: {  	s18 =	rddreg [dreg:$0x1];
	s3 =	simm.s32 $0x0;
	s19 =	sor.u32 s23, s26  }
0x4: {  	[smem:$0x7FF] =	sst s3;
	s6 =	smul.u32 $0xA0, s19  }
0x5: {  	s1 =	rddreg [dreg:$0x2];
	s9 =	sadd.s32 $0x1600, s18;
	_ =	strace $0x80000047  }
0x6: {  	s20 =	sadd.s32 $0x28, s6;
	s4 =	sshrl.u32 s6, $0x3;
	s21 =	sadd.s32 $0x50, s6  }
0x7: {  	s22 =	sadd.s32 $0x78, s6;
	s5 =	sshrl.u32 s20, $0x3;
	s4 =	sadd.s32 s9, s4  }
0x8: {  	[tilespmem:s3], [sflag:$0x1] =	stream.linear.gather [hbm4b:s4+s3], $0x28, $0x38;
	[tilespmem:$0x5200] =	vst v63  }
0x9: {  	s6 =	simm.s32 $0x80;
	s7 =	sshrl.u32 s21, $0x3;
	s5 =	sadd.s32 s9, s5  }
0xa: {  	[tilespmem:s6], [sflag:$0x1] =	stream.linear.gather [hbm4b:s5+s3], $0x28, $0x38;
	[tilespmem:$0x5200] =	vst v63  }
0xb: {  	s8 =	simm.s32 $0x100;
	s10 =	sshrl.u32 s22, $0x3;
	s7 =	sadd.s32 s9, s7  }
0xc: {  	[tilespmem:s8], [sflag:$0x1] =	stream.linear.gather [hbm4b:s7+s3], $0x28, $0x38;
	[tilespmem:$0x5200] =	vst v63  }
0xd: {  	s11 =	simm.s32 $0x1;
	s9 =	sadd.s32 s9, s10;
	s10 =	simm.s32 $0x180  }
0xe: {  	[tilespmem:s10], [sflag:$0x1] =	stream.linear.gather [hbm4b:s9+s3], $0x28, $0x38;
	[tilespmem:$0x5200] =	vst v63  }
0xf: {  	_ =	swait.ge [sflag:s11], $0x28  }
0x10: {  	[sflag:s11] =	ssyncset.done $0x0  }
0x11: {  	[sflag:s11] =	ssyncadd.s32 $0xFFFFFFD8  }
0x12: {  	_ =	swait.ge [sflag:s11], $0x28  }
0x13: {  	[sflag:s11] =	ssyncset.done $0x0  }
0x14: {  	[sflag:s11] =	ssyncadd.s32 $0xFFFFFFD8  }
0x15: {  	_ =	swait.ge [sflag:s11], $0x28  }
0x16: {  	[sflag:s11] =	ssyncset.done $0x0  }
0x17: {  	[sflag:s11] =	ssyncadd.s32 $0xFFFFFFD8  }
0x18: {  	_ =	swait.ge [sflag:s11], $0x28  }
0x19: {  	[sflag:s11] =	ssyncset.done $0x0  }
0x1a: {  	s12 =	simm.s32 $0x28;
	s13 =	simm.s32 $0x200;
	[sflag:s11] =	ssyncadd.s32 $0xFFFFFFD8  }
0x1b: {  	[tilespmem:s13], [sflag:$0x2] =	stream.indirect.gather [hbm4b:s2+s12], $0x80, s3, s12, $0xb8;
	[tilespmem:$0x5200] =	vst v63  }
0x1c: {  	s14 =	simm.s32 $0x1600  }
0x1d: {  	[tilespmem:s14], [sflag:$0x2] =	stream.indirect.gather [hbm4b:s2+s12], $0x80, s6, s12, $0xb8;
	[tilespmem:$0x5200] =	vst v63  }
0x1e: {  	s15 =	simm.s32 $0x2A00  }
0x1f: {  	[tilespmem:s15], [sflag:$0x2] =	stream.indirect.gather [hbm4b:s2+s12], $0x80, s8, s12, $0xb8;
	[tilespmem:$0x5200] =	vst v63  }
0x20: {  	s16 =	simm.s32 $0x3E00;
	s17 =	simm.s32 $0x2  }
0x21: {  	[tilespmem:s16], [sflag:$0x2] =	stream.indirect.gather [hbm4b:s2+s12], $0x80, s10, s12, $0xb8;
	[tilespmem:$0x5200] =	vst v63  }
0x22: {  	_ =	swait.ge [sflag:s17], $0x1400  }
0x23: {  	[sflag:s17] =	ssyncset.done $0x0  }
0x24: {  	[sflag:s17] =	ssyncadd.s32 $0xFFFFEC00  }
0x25: {  	_ =	swait.ge [sflag:s17], $0x1400  }
0x26: {  	[sflag:s17] =	ssyncset.done $0x0  }
0x27: {  	[sflag:s17] =	ssyncadd.s32 $0xFFFFEC00  }
0x28: {  	_ =	swait.ge [sflag:s17], $0x1400  }
0x29: {  	[sflag:s17] =	ssyncset.done $0x0  }
0x2a: {  	[sflag:s17] =	ssyncadd.s32 $0xFFFFEC00  }
0x2b: {  	s19 =	smul.u32 $0xA00, s19;
	_ =	swait.ge [sflag:s17], $0x1400  }
0x2c: {  	s24 =	sadd.s32 $0x1A00, s18;
	[sflag:s17] =	ssyncset.done $0x0  }
0x2d: {  	s18 =	sadd.s32 s24, s19;
	s28 =	sshll.u32 s20, $0x4;
	[sflag:s17] =	ssyncadd.s32 $0xFFFFEC00  }
0x2e: {  	[hbm4b:s18+s3] =	stream.linear.scatter [tilespmem:s13], [sflag:$0x3], $0x1400, $0x38;
	[tilespmem:$0x5200] =	vst v63  }
0x2f: {  	s29 =	sshll.u32 s21, $0x4;
	s19 =	sadd.s32 s24, s28  }
0x30: {  	[hbm4b:s19+s3] =	stream.linear.scatter [tilespmem:s14], [sflag:$0x3], $0x1400, $0x38;
	[tilespmem:$0x5200] =	vst v63  }
0x31: {  	s30 =	sshll.u32 s22, $0x4;
	s20 =	sadd.s32 s24, s29  }
0x32: {  	[hbm4b:s20+s3] =	stream.linear.scatter [tilespmem:s15], [sflag:$0x3], $0x1400, $0x38;
	[tilespmem:$0x5200] =	vst v63  }
0x33: {  	s21 =	simm.s32 $0x3;
	s22 =	sadd.s32 s24, s30  }
0x34: {  	[hbm4b:s22+s3] =	stream.linear.scatter [tilespmem:s16], [sflag:$0x3], $0x1400, $0x38;
	[tilespmem:$0x5200] =	vst v63  }
0x35: {  	_ =	swait.ge [sflag:s21], $0x1400  }
0x36: {  	s23 =	ssub.s32 $0x2, s23;
	[sflag:s21] =	ssyncset.done $0x0  }
0x37: {  	s31 =	sshrl.u32 s23, $0x1;
	[sflag:s21] =	ssyncadd.s32 $0xFFFFEC00  }
0x38: {  	s23 =	ssub.s32 s23, s31;
	_ =	swait.ge [sflag:s21], $0x1400  }
0x39: {  	s23 =	smax.u32 s23, $0x1;
	[sflag:s21] =	ssyncset.done $0x0  }
0x3a: {  	p0 =	sne.s32 s23, $0x1;
	[sflag:s21] =	ssyncadd.s32 $0xFFFFEC00  }
.Ltmp0:
0x3b: {  	_ =	swait.ge [sflag:s21], $0x1400;
	(pc) =	sbr.rel @!p0 .LBB2_2-.Ltmp0, $4  }
0x3c: {  	[sflag:s21] =	ssyncset.done $0x0  }
0x3d: {  	[sflag:s21] =	ssyncadd.s32 $0xFFFFEC00  }
0x3e: {  	_ =	swait.ge [sflag:s21], $0x1400  }
0x3f: {  	s23 =	sadd.s32 $0xFFFFFFFF, s23;
	[sflag:s21] =	ssyncset.done $0x0  }
.LBB2_1:
0x40: {  	p0 =	sne.s32 s23, $0x1;
	s23 =	sadd.s32 $0xFFFFFFFF, s23;
	[sflag:s21] =	ssyncadd.s32 $0xFFFFEC00  }
0x41: {  	[tilespmem:s3], [sflag:$0x1] =	stream.linear.gather [hbm4b:s4+s3], $0x28, $0x38;
	[tilespmem:$0x5200] =	vst v63  }
0x42: {  	_ = 	snop  }
0x43: {  	[tilespmem:s6], [sflag:$0x1] =	stream.linear.gather [hbm4b:s5+s3], $0x28, $0x38;
	[tilespmem:$0x5200] =	vst v63  }
0x44: {  	_ = 	snop  }
0x45: {  	[tilespmem:s8], [sflag:$0x1] =	stream.linear.gather [hbm4b:s7+s3], $0x28, $0x38;
	[tilespmem:$0x5200] =	vst v63  }
0x46: {  	_ = 	snop  }
0x47: {  	[tilespmem:s10], [sflag:$0x1] =	stream.linear.gather [hbm4b:s9+s3], $0x28, $0x38;
	[tilespmem:$0x5200] =	vst v63  }
0x48: {  	_ =	swait.ge [sflag:s11], $0x28  }
0x49: {  	[sflag:s11] =	ssyncset.done $0x0  }
0x4a: {  	[sflag:s11] =	ssyncadd.s32 $0xFFFFFFD8  }
0x4b: {  	_ =	swait.ge [sflag:s11], $0x28  }
0x4c: {  	[sflag:s11] =	ssyncset.done $0x0  }
0x4d: {  	[sflag:s11] =	ssyncadd.s32 $0xFFFFFFD8  }
0x4e: {  	_ =	swait.ge [sflag:s11], $0x28  }
0x4f: {  	[sflag:s11] =	ssyncset.done $0x0  }
0x50: {  	[sflag:s11] =	ssyncadd.s32 $0xFFFFFFD8  }
0x51: {  	_ =	swait.ge [sflag:s11], $0x28  }
0x52: {  	[sflag:s11] =	ssyncset.done $0x0  }
0x53: {  	[sflag:s11] =	ssyncadd.s32 $0xFFFFFFD8  }
0x54: {  	[tilespmem:s13], [sflag:$0x2] =	stream.indirect.gather [hbm4b:s2+s12], $0x80, s3, s12, $0xb8;
	[tilespmem:$0x5200] =	vst v63  }
0x55: {  	_ = 	snop  }
0x56: {  	[tilespmem:s14], [sflag:$0x2] =	stream.indirect.gather [hbm4b:s2+s12], $0x80, s6, s12, $0xb8;
	[tilespmem:$0x5200] =	vst v63  }
0x57: {  	_ = 	snop  }
0x58: {  	[tilespmem:s15], [sflag:$0x2] =	stream.indirect.gather [hbm4b:s2+s12], $0x80, s8, s12, $0xb8;
	[tilespmem:$0x5200] =	vst v63  }
0x59: {  	_ = 	snop  }
0x5a: {  	[tilespmem:s16], [sflag:$0x2] =	stream.indirect.gather [hbm4b:s2+s12], $0x80, s10, s12, $0xb8;
	[tilespmem:$0x5200] =	vst v63  }
0x5b: {  	_ =	swait.ge [sflag:s17], $0x1400  }
0x5c: {  	[sflag:s17] =	ssyncset.done $0x0  }
0x5d: {  	[sflag:s17] =	ssyncadd.s32 $0xFFFFEC00  }
0x5e: {  	_ =	swait.ge [sflag:s17], $0x1400  }
0x5f: {  	[sflag:s17] =	ssyncset.done $0x0  }
0x60: {  	[sflag:s17] =	ssyncadd.s32 $0xFFFFEC00  }
0x61: {  	_ =	swait.ge [sflag:s17], $0x1400  }
0x62: {  	[sflag:s17] =	ssyncset.done $0x0  }
0x63: {  	[sflag:s17] =	ssyncadd.s32 $0xFFFFEC00  }
0x64: {  	_ =	swait.ge [sflag:s17], $0x1400  }
0x65: {  	[sflag:s17] =	ssyncset.done $0x0  }
0x66: {  	[sflag:s17] =	ssyncadd.s32 $0xFFFFEC00  }
0x67: {  	[hbm4b:s18+s3] =	stream.linear.scatter [tilespmem:s13], [sflag:$0x3], $0x1400, $0x38;
	[tilespmem:$0x5200] =	vst v63  }
0x68: {  	_ = 	snop  }
0x69: {  	[hbm4b:s19+s3] =	stream.linear.scatter [tilespmem:s14], [sflag:$0x3], $0x1400, $0x38;
	[tilespmem:$0x5200] =	vst v63  }
0x6a: {  	_ = 	snop  }
0x6b: {  	[hbm4b:s20+s3] =	stream.linear.scatter [tilespmem:s15], [sflag:$0x3], $0x1400, $0x38;
	[tilespmem:$0x5200] =	vst v63  }
0x6c: {  	_ = 	snop  }
0x6d: {  	[hbm4b:s22+s3] =	stream.linear.scatter [tilespmem:s16], [sflag:$0x3], $0x1400, $0x38;
	[tilespmem:$0x5200] =	vst v63  }
0x6e: {  	_ =	swait.ge [sflag:s21], $0x1400  }
0x6f: {  	[sflag:s21] =	ssyncset.done $0x0  }
0x70: {  	[sflag:s21] =	ssyncadd.s32 $0xFFFFEC00  }
0x71: {  	_ =	swait.ge [sflag:s21], $0x1400  }
0x72: {  	[sflag:s21] =	ssyncset.done $0x0  }
0x73: {  	[sflag:s21] =	ssyncadd.s32 $0xFFFFEC00  }
.Ltmp1:
0x74: {  	_ =	swait.ge [sflag:s21], $0x1400;
	(pc) =	sbr.rel @p0 .LBB2_1-.Ltmp1, $4  }
0x75: {  	[sflag:s21] =	ssyncset.done $0x0  }
0x76: {  	[sflag:s21] =	ssyncadd.s32 $0xFFFFEC00  }
0x77: {  	_ =	swait.ge [sflag:s21], $0x1400  }
0x78: {  	[sflag:s21] =	ssyncset.done $0x0  }
.LBB2_2:
0x79: {  	[sflag:s21] =	ssyncadd.s32 $0xFFFFEC00  }
0x7a: {  	_ =	sfence.sel $0x180000  }
0x7b: {  	[bflag:$0x0] =	sbarrier.arrive $0xFFFF  }
0x7c: {  	p0 =	sne.s32 s0, $0x0;
	_ =	strace $0x90000047  }
0x7d: {  	s0 =	sadd.s32 @!p0 $0x100000, s1;
	[bflag:$0x2] =	sbarrier.arrive $0xFFFF  }
0x7e: {  	[sflag:s0] =	ssyncadd.tile.s32 @!p0 $0x1;
	_ =	shalt  }
.Lfunc_end2:
_tile_overlayer_lowered:
.L_overlay_start_2:
0x7f: {  	(tag) =	ssettag $0x2  }
0x80: {  	s0 =	rddreg [dreg:$0x0];
	s2 =	stileid.u32  }
0x81: {  	s1 =	rddreg [dreg:$0x1];
	p0 =	sne.s32 s2, $0x0  }
0x82: {  	s3 =	rddreg [dreg:$0x2];
	[bflag:$0x3] =	sbarrier.arrive $0xFFFF;
	s2 =	simm.s32 @!p0 $0x1C04  }
0x83: {  	[timem:s3], [sflag:s2] =	dma.local @!p0 [hbm:s0], s1  }
0x84: {  	s0 =	simm.s32 @!p0 $0x4  }
0x85: {  	_ =	swait.ge @!p0 [sflag:s0], s1  }
0x86: {  	s1 =	ssub.s32 @!p0 $0x0, s1;
	[sflag:s0] =	ssyncset.done @!p0 $0x0  }
0x87: {  	[sflag:s0] =	ssyncadd.s32 @!p0 s1  }
0x88: {  	[bflag:$0x3] =	sbarrier.arrive $0xFFFF  }
0x89: {  	_ =	shalt  }

</sc_bundles>
